<compile_context>
chip_gen: v7x
topology: tpu7x:2x2x1
jax: 0.10.2.dev20260603
libtpu: 0.0.44.dev20260713+nightly
codegen_flags: <defaults>
</compile_context>

<pallas_src>
import jax
import jax.numpy as jnp
from jax import lax
from jax.experimental import pallas as pl
from jax.experimental.pallas import tpu as pltpu
from jax.experimental.pallas import tpu_sc as plsc

EMB = 16
N_WORD = 200
ELEMS = N_WORD * EMB
CHUNK = 128
N_WORD_WORKERS = ELEMS // CHUNK
OUT_LEN = EMB + ELEMS
IN_DIM = OUT_LEN + 1
HID = 128


def _sc_gather(word_hbm, spk_hbm, weidx_hbm, seidx_hbm, out_hbm,
               idx_v, rows_v, sidx_v, srow_v, sem):
    info = plsc.get_sparse_core_info()
    nc = info.num_cores
    wid = lax.axis_index("s") * nc + lax.axis_index("c")

    @pl.when(wid == 0)
    def _():
        pltpu.sync_copy(seidx_hbm, sidx_v)
        pltpu.async_copy(spk_hbm.at[sidx_v], srow_v, sem).wait()
        pltpu.sync_copy(srow_v, out_hbm.at[pl.ds(0, EMB)])

    @pl.when((wid >= 1) & (wid <= N_WORD_WORKERS))
    def _():
        base = pl.multiple_of((wid - 1) * CHUNK, CHUNK)
        pltpu.sync_copy(weidx_hbm.at[pl.ds(base, CHUNK)], idx_v)
        pltpu.async_copy(word_hbm.at[idx_v], rows_v, sem).wait()
        obase = pl.multiple_of(EMB + (wid - 1) * CHUNK, EMB)
        pltpu.sync_copy(rows_v, out_hbm.at[pl.ds(obase, CHUNK)])


def _mlp_kernel(x_ref, w1_ref, b1_ref, w2c_ref, b2_ref, o_ref):
    h = lax.dot_general(
        x_ref[...], w1_ref[...], (((1,), (1,)), ((), ())),
        preferred_element_type=jnp.float32)
    h = jnp.maximum(h + b1_ref[...], 0.0)
    o = lax.dot_general(
        h, w2c_ref[...], (((1,), (0,)), ((), ())),
        preferred_element_type=jnp.float32)
    o_ref[...] = jax.nn.sigmoid(o + b2_ref[...])


def kernel(context_indices, speaker, col_three_indices, quant, sentiment,
           word_emb, speaker_emb, W1, b1, W2, b2):
    del sentiment
    lane = jnp.arange(EMB, dtype=jnp.int32)
    widx = jnp.concatenate(
        [context_indices.astype(jnp.int32), col_three_indices.astype(jnp.int32)])
    weidx = (widx[:, None] * EMB + lane[None, :]).reshape(ELEMS)
    seidx = speaker.astype(jnp.int32) * EMB + lane

    mesh = plsc.VectorSubcoreMesh(core_axis_name="c", subcore_axis_name="s")
    gathered = pl.kernel(
        _sc_gather,
        mesh=mesh,
        out_type=jax.ShapeDtypeStruct((OUT_LEN,), jnp.float32),
        scratch_types=[
            pltpu.VMEM((CHUNK,), jnp.int32),
            pltpu.VMEM((CHUNK,), jnp.float32),
            pltpu.VMEM((EMB,), jnp.int32),
            pltpu.VMEM((EMB,), jnp.float32),
            pltpu.SemaphoreType.DMA,
        ],
    )(word_emb.reshape(-1), speaker_emb.reshape(-1), weidx, seidx)

    x = jnp.concatenate(
        [gathered.reshape(1, OUT_LEN),
         quant.reshape(1, 1).astype(jnp.float32)], axis=1)

    w2c = jnp.pad(W2.reshape(HID, 1), ((0, 0), (0, HID - 1)))
    b2v = jnp.broadcast_to(b2.reshape(1, 1), (1, HID))
    out = pl.pallas_call(
        _mlp_kernel,
        out_shape=jax.ShapeDtypeStruct((1, HID), jnp.float32),
    )(x, W1, b1.reshape(1, HID), w2c, b2v)
    return out[:, :1]

# --- scband reference (transcript-rebuilt; emitter-appended) ---
"""Pipeline reference for scband-ngram-language-modeler-18021682774719 (READ-ONLY COPY).

The authoritative reference and input builder live on the scoring server;
editing this copy changes nothing except your own understanding.
"""

import jax, jax.numpy as jnp
import numpy as np

VOCAB = 1000000
NUM_SPEAKERS = 1000
EMB = 16
CONTEXT = 200
HID = 128
IN_DIM = EMB + CONTEXT * EMB + 1  # 3217


def setup_inputs(seed: int = 0) -> dict:
    key = jax.random.key(seed)
    ks = jax.random.split(key, 10)
    context_indices = jax.random.randint(ks[0], (199,), 0, VOCAB, dtype=jnp.int64 if jax.config.jax_enable_x64 else jnp.int32)
    speaker = jax.random.randint(ks[1], (1,), 0, NUM_SPEAKERS)
    col_three_indices = jax.random.randint(ks[2], (1,), 0, VOCAB)
    quant = jax.random.uniform(ks[3], (1,), dtype=jnp.float32)
    sentiment = jax.random.randint(ks[4], (1,), 0, 2)
    word_emb = jax.random.normal(ks[5], (VOCAB, EMB), dtype=jnp.float32)
    speaker_emb = jax.random.normal(ks[6], (NUM_SPEAKERS, EMB), dtype=jnp.float32)
    W1 = jax.random.normal(ks[7], (HID, IN_DIM), dtype=jnp.float32) * (1.0 / np.sqrt(IN_DIM))
    b1 = jnp.zeros((HID,), dtype=jnp.float32)
    W2 = jax.random.normal(ks[8], (1, HID), dtype=jnp.float32) * (1.0 / np.sqrt(HID))
    b2 = jnp.zeros((1,), dtype=jnp.float32)
    return {
        "context_indices": context_indices,
        "speaker": speaker,
        "col_three_indices": col_three_indices,
        "quant": quant,
        "sentiment": sentiment,
        "word_emb": word_emb,
        "speaker_emb": speaker_emb,
        "W1": W1,
        "b1": b1,
        "W2": W2,
        "b2": b2,
    }


def reference(context_indices, speaker, col_three_indices, quant, sentiment,
              word_emb, speaker_emb, W1, b1, W2, b2):
    context_embeds = jnp.take(word_emb, context_indices, axis=0).reshape((1, -1))
    speaker_embed = jnp.take(speaker_emb, speaker, axis=0).reshape((1, -1))
    col_three_embeds = jnp.take(word_emb, col_three_indices, axis=0).reshape((1, -1))
    embeds_full = jnp.concatenate(
        (speaker_embed, context_embeds, col_three_embeds, quant.reshape((1, -1))), axis=1)
    out = jax.nn.relu(embeds_full @ W1.T + b1)
    out = out @ W2.T + b2
    log_probs = jax.nn.sigmoid(out)
    return log_probs

if __name__ == "__main__":
    import jax
    _d = setup_inputs()
    print(jax.jit(kernel)(*tuple(_d.values())))

</pallas_src>

<mosaic_0001>
#map = affine_map<(d0, d1) -> (0)>
module attributes {stable_mosaic.version = 14 : i64} {
  func.func @_sc_gather(%arg0: i32, %arg1: i32, %arg2: memref<16000000xf32, #tpu.memory_space<hbm>>, %arg3: memref<16000xf32, #tpu.memory_space<hbm>>, %arg4: memref<3200xi32, #tpu.memory_space<hbm>>, %arg5: memref<16xi32, #tpu.memory_space<hbm>>, %arg6: memref<3216xf32, #tpu.memory_space<hbm>>, %arg7: memref<128xi32, #tpu.memory_space<vmem>>, %arg8: memref<128xf32, #tpu.memory_space<vmem>>, %arg9: memref<16xi32, #tpu.memory_space<vmem>>, %arg10: memref<16xf32, #tpu.memory_space<vmem>>, %arg11: memref<!tpu.dma_semaphore, #tpu.memory_space<semaphore_mem>>) attributes {dimension_semantics = [#tpu.dimension_semantics<core_parallel>, #tpu.dimension_semantics<subcore_parallel>], iteration_bounds = array<i64: 2, 16>, scalar_prefetch = 0 : i64, scratch_operands = 5 : i64, tpu.core_type = #tpu.core_type<sc_vector_subcore>, window_params = [{transform_indices = #map}, {transform_indices = #map}, {transform_indices = #map}, {transform_indices = #map}, {transform_indices = #map}]} {
    %mul3A = arith.constant 2 : i32
    %mul3A_0 = arith.muli %arg1, %mul3A : i32
    %add3A = arith.addi %mul3A_0, %arg0 : i32
    %eq3A = arith.constant 0 : i32
    %eq3A_1 = arith.cmpi eq, %add3A, %eq3A : i32
    %convert_element_type3A = arith.extui %eq3A_1 : i1 to i32
    %cond3A = arith.constant 0 : i32
    %cond3A_2 = arith.cmpi ne, %convert_element_type3A, %cond3A : i32
    scf.if %cond3A_2 {
      "tpu.region"() ({
        %run_scoped3A = tpu.sem_alloc : memref<!tpu.dma_semaphore, #tpu.memory_space<semaphore_mem>>
        tpu.enqueue_dma source(%arg5 : memref<16xi32, #tpu.memory_space<hbm>>) target(%arg9 : memref<16xi32, #tpu.memory_space<vmem>>) target_semaphore(%run_scoped3A : memref<!tpu.dma_semaphore, #tpu.memory_space<semaphore_mem>>)
        tpu.wait_dma2 semaphore(%run_scoped3A : memref<!tpu.dma_semaphore, #tpu.memory_space<semaphore_mem>>) src(%arg5 : memref<16xi32, #tpu.memory_space<hbm>>) dst(%arg9 : memref<16xi32, #tpu.memory_space<vmem>>)
        tpu.yield
      }) : () -> ()
      %dma_start3A = arith.constant 0 : i32
      %dma_start3A_8 = tpu.memref_slice %arg3[%dma_start3A] : memref<16000xf32, #tpu.memory_space<hbm>> -> memref<16000xf32, #tpu.memory_space<hbm>>
      tpu.enqueue_indirect_dma source(%dma_start3A_8 : memref<16000xf32, #tpu.memory_space<hbm>>) target(%arg10 : memref<16xf32, #tpu.memory_space<vmem>>) offsets(%arg9 : memref<16xi32, #tpu.memory_space<vmem>>) semaphore(%arg11 : memref<!tpu.dma_semaphore, #tpu.memory_space<semaphore_mem>>)
      %dma_wait3A = arith.constant 0 : i32
      %dma_wait3A_9 = tpu.memref_slice %arg3[%dma_wait3A] : memref<16000xf32, #tpu.memory_space<hbm>> -> memref<16000xf32, #tpu.memory_space<hbm>>
      tpu.wait_indirect_dma semaphore(%arg11 : memref<!tpu.dma_semaphore, #tpu.memory_space<semaphore_mem>>) src(%dma_wait3A_9 : memref<16000xf32, #tpu.memory_space<hbm>>) dst(%arg10 : memref<16xf32, #tpu.memory_space<vmem>>)
      "tpu.region"() ({
        %run_scoped3A = tpu.sem_alloc : memref<!tpu.dma_semaphore, #tpu.memory_space<semaphore_mem>>
        %dma_start3A_10 = arith.constant 0 : i32
        %dma_start3A_11 = tpu.memref_slice %arg6[%dma_start3A_10] : memref<3216xf32, #tpu.memory_space<hbm>> -> memref<16xf32, #tpu.memory_space<hbm>>
        %dma_start3A_12 = arith.constant 0 : i32
        %dma_start3A_13 = tpu.memref_slice %arg6[%dma_start3A_12] : memref<3216xf32, #tpu.memory_space<hbm>> -> memref<16xf32, #tpu.memory_space<hbm>>
        tpu.enqueue_dma source(%arg10 : memref<16xf32, #tpu.memory_space<vmem>>) target(%dma_start3A_13 : memref<16xf32, #tpu.memory_space<hbm>>) target_semaphore(%run_scoped3A : memref<!tpu.dma_semaphore, #tpu.memory_space<semaphore_mem>>)
        %dma_wait3A_14 = arith.constant 0 : i32
        %dma_wait3A_15 = tpu.memref_slice %arg6[%dma_wait3A_14] : memref<3216xf32, #tpu.memory_space<hbm>> -> memref<16xf32, #tpu.memory_space<hbm>>
        %dma_wait3A_16 = arith.constant 0 : i32
        %dma_wait3A_17 = tpu.memref_slice %arg6[%dma_wait3A_16] : memref<3216xf32, #tpu.memory_space<hbm>> -> memref<16xf32, #tpu.memory_space<hbm>>
        tpu.wait_dma2 semaphore(%run_scoped3A : memref<!tpu.dma_semaphore, #tpu.memory_space<semaphore_mem>>) src(%arg10 : memref<16xf32, #tpu.memory_space<vmem>>) dst(%dma_wait3A_17 : memref<16xf32, #tpu.memory_space<hbm>>)
        tpu.yield
      }) : () -> ()
    } else {
    }
    %ge3A = arith.constant 1 : i32
    %ge3A_3 = arith.cmpi sge, %add3A, %ge3A : i32
    %le3A = arith.constant 25 : i32
    %le3A_4 = arith.cmpi sle, %add3A, %le3A : i32
    %and3A = arith.andi %ge3A_3, %le3A_4 : i1
    %convert_element_type3A_5 = arith.extui %and3A : i1 to i32
    %cond3A_6 = arith.constant 0 : i32
    %cond3A_7 = arith.cmpi ne, %convert_element_type3A_5, %cond3A_6 : i32
    scf.if %cond3A_7 {
      %sub3A = arith.constant 1 : i32
      %sub3A_8 = arith.subi %add3A, %sub3A : i32
      %mul3A_9 = arith.constant 128 : i32
      %mul3A_10 = arith.muli %sub3A_8, %mul3A_9 : i32
      %multiple_of3A = tpu.assume_multiple %mul3A_10, 128 : i32
      "tpu.region"() ({
        %run_scoped3A = tpu.sem_alloc : memref<!tpu.dma_semaphore, #tpu.memory_space<semaphore_mem>>
        %dma_start3A_20 = tpu.memref_slice %arg4[%multiple_of3A] : memref<3200xi32, #tpu.memory_space<hbm>> -> memref<128xi32, #tpu.memory_space<hbm>>
        %dma_start3A_21 = tpu.memref_slice %arg4[%multiple_of3A] : memref<3200xi32, #tpu.memory_space<hbm>> -> memref<128xi32, #tpu.memory_space<hbm>>
        tpu.enqueue_dma source(%dma_start3A_21 : memref<128xi32, #tpu.memory_space<hbm>>) target(%arg7 : memref<128xi32, #tpu.memory_space<vmem>>) target_semaphore(%run_scoped3A : memref<!tpu.dma_semaphore, #tpu.memory_space<semaphore_mem>>)
        %dma_wait3A_22 = tpu.memref_slice %arg4[%multiple_of3A] : memref<3200xi32, #tpu.memory_space<hbm>> -> memref<128xi32, #tpu.memory_space<hbm>>
        %dma_wait3A_23 = tpu.memref_slice %arg4[%multiple_of3A] : memref<3200xi32, #tpu.memory_space<hbm>> -> memref<128xi32, #tpu.memory_space<hbm>>
        tpu.wait_dma2 semaphore(%run_scoped3A : memref<!tpu.dma_semaphore, #tpu.memory_space<semaphore_mem>>) src(%dma_wait3A_23 : memref<128xi32, #tpu.memory_space<hbm>>) dst(%arg7 : memref<128xi32, #tpu.memory_space<vmem>>)
        tpu.yield
      }) : () -> ()
      %dma_start3A = arith.constant 0 : i32
      %dma_start3A_11 = tpu.memref_slice %arg2[%dma_start3A] : memref<16000000xf32, #tpu.memory_space<hbm>> -> memref<16000000xf32, #tpu.memory_space<hbm>>
      tpu.enqueue_indirect_dma source(%dma_start3A_11 : memref<16000000xf32, #tpu.memory_space<hbm>>) target(%arg8 : memref<128xf32, #tpu.memory_space<vmem>>) offsets(%arg7 : memref<128xi32, #tpu.memory_space<vmem>>) semaphore(%arg11 : memref<!tpu.dma_semaphore, #tpu.memory_space<semaphore_mem>>)
      %dma_wait3A = arith.constant 0 : i32
      %dma_wait3A_12 = tpu.memref_slice %arg2[%dma_wait3A] : memref<16000000xf32, #tpu.memory_space<hbm>> -> memref<16000000xf32, #tpu.memory_space<hbm>>
      tpu.wait_indirect_dma semaphore(%arg11 : memref<!tpu.dma_semaphore, #tpu.memory_space<semaphore_mem>>) src(%dma_wait3A_12 : memref<16000000xf32, #tpu.memory_space<hbm>>) dst(%arg8 : memref<128xf32, #tpu.memory_space<vmem>>)
      %sub3A_13 = arith.constant 1 : i32
      %sub3A_14 = arith.subi %add3A, %sub3A_13 : i32
      %mul3A_15 = arith.constant 128 : i32
      %mul3A_16 = arith.muli %sub3A_14, %mul3A_15 : i32
      %add3A_17 = arith.constant 16 : i32
      %add3A_18 = arith.addi %add3A_17, %mul3A_16 : i32
      %multiple_of3A_19 = tpu.assume_multiple %add3A_18, 16 : i32
      "tpu.region"() ({
        %run_scoped3A = tpu.sem_alloc : memref<!tpu.dma_semaphore, #tpu.memory_space<semaphore_mem>>
        %dma_start3A_20 = tpu.memref_slice %arg6[%multiple_of3A_19] : memref<3216xf32, #tpu.memory_space<hbm>> -> memref<128xf32, #tpu.memory_space<hbm>>
        %dma_start3A_21 = tpu.memref_slice %arg6[%multiple_of3A_19] : memref<3216xf32, #tpu.memory_space<hbm>> -> memref<128xf32, #tpu.memory_space<hbm>>
        tpu.enqueue_dma source(%arg8 : memref<128xf32, #tpu.memory_space<vmem>>) target(%dma_start3A_21 : memref<128xf32, #tpu.memory_space<hbm>>) target_semaphore(%run_scoped3A : memref<!tpu.dma_semaphore, #tpu.memory_space<semaphore_mem>>)
        %dma_wait3A_22 = tpu.memref_slice %arg6[%multiple_of3A_19] : memref<3216xf32, #tpu.memory_space<hbm>> -> memref<128xf32, #tpu.memory_space<hbm>>
        %dma_wait3A_23 = tpu.memref_slice %arg6[%multiple_of3A_19] : memref<3216xf32, #tpu.memory_space<hbm>> -> memref<128xf32, #tpu.memory_space<hbm>>
        tpu.wait_dma2 semaphore(%run_scoped3A : memref<!tpu.dma_semaphore, #tpu.memory_space<semaphore_mem>>) src(%arg8 : memref<128xf32, #tpu.memory_space<vmem>>) dst(%dma_wait3A_23 : memref<128xf32, #tpu.memory_space<hbm>>)
        tpu.yield
      }) : () -> ()
    } else {
    }
    return
  }
}

module attributes {stable_mosaic.version = 14 : i64} {
  func.func @_mlp_kernel(%arg0: memref<1x3217xf32, #tpu.memory_space<vmem>>, %arg1: memref<128x3217xf32, #tpu.memory_space<vmem>>, %arg2: memref<1x128xf32, #tpu.memory_space<vmem>>, %arg3: memref<128x128xf32, #tpu.memory_space<vmem>>, %arg4: memref<1x128xf32, #tpu.memory_space<vmem>>, %arg5: memref<1x128xf32, #tpu.memory_space<vmem>>) attributes {dimension_semantics = [], scalar_prefetch = 0 : i64, scratch_operands = 0 : i64, tpu.core_type = #tpu.core_type<tc>} {
    %get3A = arith.constant 0 : index
    %get3A_0 = arith.constant 0 : index
    %get3A_1 = vector.load %arg0[%get3A, %get3A_0] : memref<1x3217xf32, #tpu.memory_space<vmem>>, vector<1x3217xf32>
    %get3A_2 = arith.constant 0 : index
    %get3A_3 = arith.constant 0 : index
    %get3A_4 = vector.load %arg1[%get3A_2, %get3A_3] : memref<128x3217xf32, #tpu.memory_space<vmem>>, vector<128x3217xf32>
    %dot_general3A = arith.constant dense<0.000000e+00> : vector<1x128xf32>
    %dot_general3A_5 = tpu.matmul %get3A_1, %get3A_4, %dot_general3A {dimension_numbers = #tpu.dot_dimension_numbers<[1], [1], [0], [0], [0, 0, 1, 0], [], []>, transpose_lhs_hint = false} : vector<1x3217xf32>, vector<128x3217xf32>, vector<1x128xf32> -> vector<1x128xf32>
    %get3A_6 = arith.constant 0 : index
    %get3A_7 = arith.constant 0 : index
    %get3A_8 = vector.load %arg2[%get3A_6, %get3A_7] : memref<1x128xf32, #tpu.memory_space<vmem>>, vector<1x128xf32>
    %add3A = arith.addf %dot_general3A_5, %get3A_8 : vector<1x128xf32>
    %max3A = arith.constant 0.000000e+00 : f32
    %max3A_9 = vector.broadcast %max3A : f32 to vector<1x128xf32>
    %max3A_10 = arith.maximumf %add3A, %max3A_9 : vector<1x128xf32>
    %get3A_11 = arith.constant 0 : index
    %get3A_12 = arith.constant 0 : index
    %get3A_13 = vector.load %arg3[%get3A_11, %get3A_12] : memref<128x128xf32, #tpu.memory_space<vmem>>, vector<128x128xf32>
    %dot_general3A_14 = arith.constant dense<0.000000e+00> : vector<1x128xf32>
    %dot_general3A_15 = tpu.matmul %max3A_10, %get3A_13, %dot_general3A_14 {dimension_numbers = #tpu.dot_dimension_numbers<[1], [0], [0], [1], [0, 0, 1, 1], [], []>, transpose_lhs_hint = false} : vector<1x128xf32>, vector<128x128xf32>, vector<1x128xf32> -> vector<1x128xf32>
    %get3A_16 = arith.constant 0 : index
    %get3A_17 = arith.constant 0 : index
    %get3A_18 = vector.load %arg4[%get3A_16, %get3A_17] : memref<1x128xf32, #tpu.memory_space<vmem>>, vector<1x128xf32>
    %add3A_19 = arith.addf %dot_general3A_15, %get3A_18 : vector<1x128xf32>
    %logistic3A = arith.negf %add3A_19 : vector<1x128xf32>
    %logistic3A_20 = math.exp %logistic3A : vector<1x128xf32>
    %logistic3A_21 = arith.constant 1.000000e+00 : f32
    %logistic3A_22 = vector.broadcast %logistic3A_21 : f32 to vector<1x128xf32>
    %logistic3A_23 = arith.addf %logistic3A_22, %logistic3A_20 : vector<1x128xf32>
    %logistic3A_24 = arith.divf %logistic3A_22, %logistic3A_23 : vector<1x128xf32>
    %swap3A = arith.constant 0 : index
    %swap3A_25 = arith.constant 0 : index
    %swap3A_26 = vector.load %arg5[%swap3A, %swap3A_25] : memref<1x128xf32, #tpu.memory_space<vmem>>, vector<1x128xf32>
    tpu.vector_store %arg5[%swap3A, %swap3A_25], %logistic3A_24 {strides = array<i32>} : memref<1x128xf32, #tpu.memory_space<vmem>>, vector<1x128xf32>,
    return
  }
}

</mosaic_0001>

<sc_bundles>
// kernel: kernel.4.cloned.1.call-start
scs
__scs_entry_jumppad:
0x0: {  	(pc) =	sbr.rel $0x88, $3  }
0x1: {  	(tag) =	ssettag $0x0;
	lr =	simm.s32 $0x1  }
0x2: {  	[smem:$0x3F97] =	sst lr;
	_ =	strace $0xD0000000  }
0x3: {  	_ = 	snop  }
0x4: {  	_ = 	snop  }
0x5: {  	_ = 	snop  }
0x6: {  	_ = 	snop  }
0x7: {  	_ = 	snop  }
__scs_overlays_trampoline_lowered:
0x8: {  	[smem:$0x3FA6] =	sst s0  }
0x9: {  	[smem:$0x3FA7] =	sst s1  }
0xa: {  	[smem:$0x3FA8] =	sst s2  }
0xb: {  	[smem:$0x3FA9] =	sst s3  }
0xc: {  	[smem:$0x3FAA] =	sst s4  }
0xd: {  	[smem:$0x3FAB] =	sst s5  }
0xe: {  	[smem:$0x3FAC] =	sst s6  }
0xf: {  	[smem:$0x3FAD] =	sst s7  }
0x10: {  	[smem:$0x3FAE] =	sst s8  }
0x11: {  	[smem:$0x3FAF] =	sst s9;
	s0 =	simm.s32 @!p0 $0x0  }
0x12: {  	s1 =	sld [smem:$0x3F95];
	s0 =	simm.s32 @p0 $0x1  }
0x13: {  	[smem:$0x3FB0] =	sst s0;
	s0 =	simm.s32 @!p1 $0x0  }
0x14: {  	s2 =	sld [smem:$0x3F94];
	s0 =	simm.s32 @p1 $0x1  }
0x15: {  	[smem:$0x3FB1] =	sst s0;
	s0 =	simm.s32 @!p2 $0x0  }
0x16: {  	s3 =	sld [smem:$0x3FDB];
	s0 =	simm.s32 @p2 $0x1  }
0x17: {  	s4 =	simm.s32 $0x1BF5;
	[smem:$0x3FB3] =	sst s0  }
0x18: {  	s0 =	sld [smem:$0x3F96];
	_ =	swait.ge [sflag:s4], $0x0  }
0x19: {  	s7 =	sld [smem:$0x3F97]  }
0x1a: {  	s8 =	sadd.s32 $0xFFFFE003, lr  }
0x1b: {  	s9 =	sadd.s32 $0xFFFFFEF7, lr;
	s5 =	simm.s32 $0xFFFFFFFF;
	p2 =	slt.u32 s8, $0xFFFFF086  }
0x1c: {  	p1 =	slt.u32 s9, $0xF7A;
	s5 =	simm.s32 @!p2 $0x0  }
0x1d: {  	s5 =	simm.s32 @p1 $0x1;
	p0 =	seq.s32 s7, s2  }
0x1e: {  	s7 =	smul.u32 @!p0 $0xF7A, s2;
	p2 =	seq.s32 @!p0 s5, $0x0  }
0x1f: {  	s9 =	smul.u32 $0xF7A, s1;
	s8 =	simm.s32 @!p0 $0x1BF5;
	p2 =	por !p2, p0  }
0x20: {  	[sflag:s8] =	ssyncset.s32 @!p0 $0xFFFFF086;
	s6 =	sadd.s32 @!p0 s3, s7;
	s7 =	simm.s32 @!p0 $0x108  }
0x21: {  	s3 =	sadd.s32 s3, s9;
	s6 =	sadd.s32 @!p0 $0x88, s6;
	s7 =	simm.s32 @p2 $0x1082  }
0x22: {  	[simem:s7], [sflag:s8] =	dma.local @!p0 [hbm:s6], $0xF7A  }
0x23: {  	s9 =	sor.u32 $0xD0000000, s2;
	s6 =	simm.s32 $0x108;
	_ =	swait.ge @!p0 [sflag:s8], $0x0  }
0x24: {  	s3 =	sadd.s32 $0x88, s3;
	s6 =	simm.s32 @!p1 $0x1082;
	[sflag:s4] =	ssyncset.s32 $0xFFFFF086  }
0x25: {  	[simem:s6], [sflag:s4] =	dma.local [hbm:s3], $0xF7A  }
0x26: {  	[smem:$0x3F97] =	sst s1;
	(tag) =	ssettag s2;
	_ =	strace s9  }
0x27: {  	s1 =	sld [smem:$0x3FA7]  }
0x28: {  	s2 =	sld [smem:$0x3FA8]  }
0x29: {  	s4 =	sld [smem:$0x3FAA]  }
0x2a: {  	p0 =	seq.s32 s5, $0x0;
	s5 =	sld [smem:$0x3FAB]  }
0x2b: {  	s6 =	sld [smem:$0x3FAC]  }
0x2c: {  	s7 =	sld [smem:$0x3FAD]  }
0x2d: {  	s3 =	simm.s32 $0x108;
	s8 =	sld [smem:$0x3FAE]  }
0x2e: {  	s3 =	simm.s32 @!p0 $0x1082;
	s9 =	sld [smem:$0x3FAF]  }
0x2f: {  	lr =	sadd.s32 s0, s3;
	s0 =	sld [smem:$0x3FA6]  }
0x30: {  	s3 =	sld [smem:$0x3FA9]  }
0x31: {  	[smem:$0x3FB2] =	sst s10  }
0x32: {  	s10 =	sld [smem:$0x3FB0];
	_ =	sdelay $0x3  }
0x33: {  	p0 =	seq.s32 s10, $0x1;
	s10 =	sld [smem:$0x3FB2];
	_ =	sdelay $0x3  }
0x34: {  	[smem:$0x3FB2] =	sst s10  }
0x35: {  	s10 =	sld [smem:$0x3FB1];
	_ =	sdelay $0x3  }
0x36: {  	p1 =	seq.s32 s10, $0x1;
	s10 =	sld [smem:$0x3FB2];
	_ =	sdelay $0x3  }
0x37: {  	[smem:$0x3FB2] =	sst s10  }
0x38: {  	s10 =	sld [smem:$0x3FB3]  }
0x39: {  	_ = 	snop;
	(pc) =	sbr.ind lr, $3  }
0x3a: {  	_ = 	snop  }
0x3b: {  	_ = 	snop  }
0x3c: {  	p2 =	seq.s32 s10, $0x1;
	s10 =	sld [smem:$0x3FB2]  }
0x3d: {  	_ =	shalt  }
0x3e: {  	_ =	shalt  }
0x3f: {  	_ =	shalt  }
0x40: {  	_ =	shalt  }
0x41: {  	_ =	shalt  }
0x42: {  	_ =	shalt  }
0x43: {  	_ =	shalt  }
0x44: {  	_ =	shalt  }
0x45: {  	_ =	shalt  }
0x46: {  	_ =	shalt  }
0x47: {  	_ =	shalt  }
0x48: {  	_ =	shalt  }
0x49: {  	_ =	shalt  }
0x4a: {  	_ =	shalt  }
0x4b: {  	_ =	shalt  }
0x4c: {  	_ =	shalt  }
0x4d: {  	_ =	shalt  }
0x4e: {  	_ =	shalt  }
0x4f: {  	_ =	shalt  }
0x50: {  	_ =	shalt  }
0x51: {  	_ =	shalt  }
0x52: {  	_ =	shalt  }
0x53: {  	_ =	shalt  }
0x54: {  	_ =	shalt  }
0x55: {  	_ =	shalt  }
0x56: {  	_ =	shalt  }
0x57: {  	_ =	shalt  }
0x58: {  	_ =	shalt  }
0x59: {  	_ =	shalt  }
0x5a: {  	_ =	shalt  }
0x5b: {  	_ =	shalt  }
0x5c: {  	_ =	shalt  }
0x5d: {  	_ =	shalt  }
0x5e: {  	_ =	shalt  }
0x5f: {  	_ =	shalt  }
0x60: {  	_ =	shalt  }
0x61: {  	_ =	shalt  }
0x62: {  	_ =	shalt  }
0x63: {  	_ =	shalt  }
0x64: {  	_ =	shalt  }
0x65: {  	_ =	shalt  }
0x66: {  	_ =	shalt  }
0x67: {  	_ =	shalt  }
0x68: {  	_ =	shalt  }
0x69: {  	_ =	shalt  }
0x6a: {  	_ =	shalt  }
0x6b: {  	_ =	shalt  }
0x6c: {  	_ =	shalt  }
0x6d: {  	_ =	shalt  }
0x6e: {  	_ =	shalt  }
0x6f: {  	_ =	shalt  }
0x70: {  	_ =	shalt  }
0x71: {  	_ =	shalt  }
0x72: {  	_ =	shalt  }
0x73: {  	_ =	shalt  }
0x74: {  	_ =	shalt  }
0x75: {  	_ =	shalt  }
0x76: {  	_ =	shalt  }
0x77: {  	_ =	shalt  }
0x78: {  	_ =	shalt  }
0x79: {  	_ =	shalt  }
0x7a: {  	_ =	shalt  }
0x7b: {  	_ =	shalt  }
0x7c: {  	_ =	shalt  }
0x7d: {  	_ =	shalt  }
0x7e: {  	_ =	shalt  }
0x7f: {  	_ =	shalt  }
0x80: {  	_ =	shalt  }
0x81: {  	_ =	shalt  }
0x82: {  	_ =	shalt  }
0x83: {  	_ =	shalt  }
0x84: {  	_ =	shalt  }
0x85: {  	_ =	shalt  }
0x86: {  	_ =	shalt  }
0x87: {  	_ =	shalt  }
.Lfunc_end0:
.L_simem_size_0:
called_computation_lowered:
.L_overlay_start_0:
0x88: {  	s2 =	sld [smem:$0x3FD9]  }
0x89: {  	s3 =	sld [smem:$0x3FFE];
	_ =	sdelay $0x1  }
0x8a: {  	s1 =	srdreg.scid  }
0x8b: {  	s0 =	sand.u32 $0x1, s1  }
0x8c: {  	s16 =	sshll.u32 s0, $0xA;
	s2 =	sadd.s32 s3, s2  }
0x8d: {  	s2 =	sadd.s32 s2, s16  }
0x8e: {  	[smem:$0x3FBE] =	sst s2  }
0x8f: {  	_ = 	snop  }
0x90: {  	(tm) =	ssettm $0x1  }
0x91: {  	s17 =	sld [smem:$0x3FFB];
	_ =	sdelay $0x3  }
0x92: {  	_ =	strace s17  }
0x93: {  	s2 =	sld [smem:$0x3FFC];
	_ =	sdelay $0x3  }
0x94: {  	_ =	strace s2  }
0x95: {  	s2 =	sld [smem:$0x3FFD];
	_ =	sdelay $0x3  }
0x96: {  	_ =	strace s2  }
0x97: {  	_ =	strace $0x8FFFFFFF  }
0x98: {  	s18 =	sld [smem:$0x3FDB];
	_ =	sdelay $0x1  }
0x99: {  	s19 =	simm.s32 $_scs_section_size  }
0x9a: {  	s4 =	simm.s32 $_size__tile_overlayer_lowered;
	s5 =	simm.s32 $_tile_overlayer_lowered  }
0x9b: {  	s22 =	simm.s32 $0x1BFF;
	s21 =	sshll.u32 s5, $0x1;
	s2 =	sadd.s32 s19, s18  }
0x9c: {  	s6 =	simm.s32 $0x0;
	s20 =	sshll.u32 s4, $0x1;
	s4 =	sadd.s32 s21, s2  }
0x9d: {  	[timem:s6], [sflag:s22] =	dma.local [hbm:s4], s20  }
0x9e: {  	_ =	swait.ge [sflag:s22], s20  }
0x9f: {  	s3 =	ssub.s32 $0x0, s20;
	[sflag:s22] =	ssyncset.done $0x0  }
0xa0: {  	[sflag:s22] =	ssyncadd.s32 s3;
	_ =	sdelay $0x1  }
0xa1: {  	s23 =	simm.s32 $0x1B8B  }
0xa2: {  	_ =	swait.ge [sflag:s23], $0x1  }
0xa3: {  	[sflag:s23] =	ssyncset.done $0x0  }
0xa4: {  	s25 =	simm.s32 $0x1B8E;
	s24 =	sld [smem:$0x3FFE];
	[sflag:s23] =	ssyncadd.s32 $0xFFFFFFFF  }
0xa5: {  	s26 =	simm.s32 $execute0_lowered;
	[smem:$0x3FD2] =	sst s25  }
0xa6: {  	s4 =	sshll.u32 s26, $0x1;
	_ =	strace $0x80000046;
	[dreg:$0x1] =	wrdreg $0xFFFFFFFF  }
0xa7: {  	s28 =	simm.s32 $_size_execute0_lowered;
	s2 =	sadd.s32 s2, s4;
	[dreg:$0x0] =	wrdreg $0x0  }
0xa8: {  	s4 =	sshll.u32 s28, $0x1;
	[dreg:$0x2] =	wrdreg s2  }
0xa9: {  	[dreg:$0x3] =	wrdreg s4  }
0xaa: {  	[dreg:$0x4] =	wrdreg $0xC0  }
0xab: {  	_ =	task [dreg:s6], $0x5FFFF  }
0xac: {  	[dreg:$0x1] =	wrdreg $0xFFFFFFFF  }
0xad: {  	[dreg:$0x0] =	wrdreg $0x60  }
0xae: {  	[dreg:$0x2] =	wrdreg s24  }
0xaf: {  	[dreg:$0x3] =	wrdreg $0x9  }
0xb0: {  	_ =	task.clear_ibuf [dreg:s6], $0x4FFFF;
	_ =	strace $0x90000046  }
0xb1: {  	s29 =	simm.s32 $0x9;
	_ =	strace $0x80000048  }
0xb2: {  	_ =	swait.ge [sflag:s29], $0x1  }
0xb3: {  	[sflag:s29] =	ssyncadd.s32 $0xFFFFFFFF  }
0xb4: {  	_ =	strace $0x90000048  }
0xb5: {  	_ =	sfence  }
0xb6: {  	s30 =	sld [smem:$0x0];
	_ =	sdelay $0x2  }
0xb7: {  	s31 =	sshll.u32 s1, $0xD;
	s1 =	sshrl.u32 s1, $0x2  }
0xb8: {  	s3 =	sand.u32 $0x4000, s31;
	s1 =	sadd.s32 s1, s30  }
0xb9: {  	s0 =	sor.u32 s3, s0;
	s1 =	sshll.u32 s1, $0x11  }
0xba: {  	s0 =	sor.u32 s1, s0  }
0xbb: {  	s0 =	sadd.s32 $0x8F2B, s0  }
0xbc: {  	[sflag:s0] =	ssyncadd.remote.s32 $0x1  }
0xbd: {  	_ =	sfence.sel $0xFFFF  }
0xbe: {  	[dreg:$0x0] =	wrdreg $0xFFFFFFFF;
	(pc) =	sbr.abs _section_cstart, $3  }
0xbf: {  	[dreg:$0x1] =	wrdreg $0xFFFFFFFF  }
0xc0: {  	_ =	task.clear_ibuf [dreg:s6], $0x2FFFF;
	_ =	strace $0x9FFFFFFF  }
0xc1: {  	(tm) =	ssettm $0x7FFFFFFF  }
tec
execute0_lowered:
.L_overlay_start_1:
0x0: {  	(tag) =	ssettag $0x1  }
0x1: {  	s2 =	srdreg.scid  }
0x2: {  	s2 =	sand.u32 $0x1, s2  }
0x3: {  	s3 =	rddreg [dreg:$0x0];
	s7 =	ssub.s32 $0x2, s2  }
0x4: {  	s0 =	rddreg [dreg:$0x1];
	s9 =	sshrl.u32 s7, $0x1  }
0x5: {  	s1 =	stileid.u32;
	s4 =	simm.s32 $0x0;
	s9 =	ssub.s32 s7, s9  }
0x6: {  	p2 =	por $0x0, $0x0;
	s5 =	sshll.u32 s1, $0x1;
	s9 =	smax.u32 s9, $0x1  }
0x7: {  	[smem:$0x7FF] =	sst s4;
	s6 =	sor.u32 s2, s5;
	s18 =	sadd.s32 $0xFFFFFFFF, s9  }
0x8: {  	_ =	strace $0x80000047;
	s5 =	sadd.s32 $0xF43200, s3;
	p3 =	sne.s32 s18, $0x0  }
.Ltmp0:
0x9: {  	s2 =	sadd.s32 $0xE00, s3;
	s8 =	sshll.u32 s6, $0x7;
	(pc) =	sbr.rel @!p3 .LBB2_3-.Ltmp0, $4  }
0xa: {  	p0 =	sne.s32 s6, $0x0;
	s30 =	sadd.s32 $0xFFFFFF80, s8;
	s8 =	sadd.s32 $0xFFFFFF90, s8  }
0xb: {  	p1 =	sgt.u32 @p0 s1, $0xC;
	s4 =	sshrl.u32 s30, $0x3;
	s31 =	sshrl.u32 s8, $0x3  }
0xc: {  	s10 =	sadd.s32 s4, s3;
	s4 =	sadd.s32 $0x1800, s3;
	s3 =	sadd.s32 $0x1A00, s3  }
0xd: {  	p1 =	por p1, !p0;
	s7 =	sadd.s32 $0x1600, s10;
	s6 =	sadd.s32 s3, s31  }
0xe: {  	s8 =	simm.s32 @!p1 $0x0;
	s9 =	simm.s32 @!p1 $0x2  }
0xf: {  	[tilespmem:s8], [sflag:$0x2] =	stream.linear.gather @!p1 [hbm4b:s7+s8], $0x80, $0x38;
	[tilespmem:$0x200] =	vst v63  }
0x10: {  	_ =	swait.ge @!p1 [sflag:s9], $0x80  }
0x11: {  	[sflag:s9] =	ssyncset.done @!p1 $0x0  }
0x12: {  	s11 =	simm.s32 @!p1 $0x80;
	s12 =	simm.s32 @!p1 $0x1;
	[sflag:s9] =	ssyncadd.s32 @!p1 $0xFFFFFF80  }
0x13: {  	[tilespmem:s11], [sflag:$0x1] =	stream.indirect.gather @!p1 [hbm4b:s5+s11], $0x1, s8, s11, $0xb8;
	[tilespmem:$0x200] =	vst v63  }
0x14: {  	_ =	swait.ge @!p1 [sflag:s12], $0x80  }
0x15: {  	[sflag:s12] =	ssyncset.done @!p1 $0x0  }
0x16: {  	[sflag:s12] =	ssyncadd.s32 @!p1 $0xFFFFFF80  }
0x17: {  	[hbm4b:s6+s8] =	stream.linear.scatter @!p1 [tilespmem:s11], [sflag:$0x2], $0x80, $0x38;
	[tilespmem:$0x200] =	vst v63  }
0x18: {  	_ =	swait.ge @!p1 [sflag:s9], $0x80  }
0x19: {  	s10 =	simm.s32 @!p0 $0x2;
	[sflag:s9] =	ssyncset.done @!p1 $0x0  }
0x1a: {  	s13 =	simm.s32 @!p0 $0x0;
	s14 =	simm.s32 @!p0 $0x100;
	[sflag:s9] =	ssyncadd.s32 @!p1 $0xFFFFFF80  }
0x1b: {  	[tilespmem:s14], [sflag:$0x2] =	stream.linear.gather @!p0 [hbm4b:s4+s13], $0x80, $0x38;
	[tilespmem:$0x200] =	vst v63  }
0x1c: {  	_ =	swait.ge @!p0 [sflag:s10], $0x80  }
0x1d: {  	s15 =	simm.s32 @!p0 $0x1;
	s16 =	simm.s32 @!p0 $0x10;
	[sflag:s10] =	ssyncset.done @!p0 $0x0  }
0x1e: {  	s17 =	simm.s32 @!p0 $0x180;
	s18 =	sadd.s32 $0xFFFFFFFF, s18;
	[sflag:s10] =	ssyncadd.s32 @!p0 $0xFFFFFF80  }
0x1f: {  	[tilespmem:s17], [sflag:$0x1] =	stream.indirect.gather @!p0 [hbm4b:s2+s16], $0x1, s14, s16, $0xb8;
	[tilespmem:$0x200] =	vst v63  }
0x20: {  	p3 =	sne.s32 s18, $0x0;
	_ =	swait.ge @!p0 [sflag:s15], $0x10  }
.Ltmp1:
0x21: {  	[sflag:s15] =	ssyncset.done @!p0 $0x0;
	(pc) =	sbr.rel @!p3 .LBB2_3-.Ltmp1, $4  }
0x22: {  	[sflag:s15] =	ssyncadd.s32 @!p0 $0xFFFFFFF0  }
0x23: {  	[hbm4b:s3+s13] =	stream.linear.scatter @!p0 [tilespmem:s17], [sflag:$0x2], $0x10, $0x38;
	[tilespmem:$0x200] =	vst v63  }
0x24: {  	_ =	swait.ge @!p0 [sflag:s10], $0x10  }
0x25: {  	p2 =	por $0x1, $0x1;
	[sflag:s10] =	ssyncset.done @!p0 $0x0  }
.LBB2_2:
0x26: {  	[sflag:s10] =	ssyncadd.s32 @!p0 $0xFFFFFFF0  }
0x27: {  	[tilespmem:s8], [sflag:$0x2] =	stream.linear.gather @!p1 [hbm4b:s7+s8], $0x80, $0x38;
	[tilespmem:$0x200] =	vst v63  }
0x28: {  	s18 =	sadd.s32 $0xFFFFFFFF, s18;
	_ =	swait.ge @!p1 [sflag:s9], $0x80  }
0x29: {  	p3 =	sne.s32 s18, $0x0;
	[sflag:s9] =	ssyncset.done @!p1 $0x0  }
0x2a: {  	[sflag:s9] =	ssyncadd.s32 @!p1 $0xFFFFFF80  }
0x2b: {  	[tilespmem:s11], [sflag:$0x1] =	stream.indirect.gather @!p1 [hbm4b:s5+s11], $0x1, s8, s11, $0xb8;
	[tilespmem:$0x200] =	vst v63  }
0x2c: {  	_ =	swait.ge @!p1 [sflag:s12], $0x80  }
0x2d: {  	[sflag:s12] =	ssyncset.done @!p1 $0x0  }
0x2e: {  	[sflag:s12] =	ssyncadd.s32 @!p1 $0xFFFFFF80  }
0x2f: {  	[hbm4b:s6+s8] =	stream.linear.scatter @!p1 [tilespmem:s11], [sflag:$0x2], $0x80, $0x38;
	[tilespmem:$0x200] =	vst v63  }
0x30: {  	_ =	swait.ge @!p1 [sflag:s9], $0x80  }
0x31: {  	[sflag:s9] =	ssyncset.done @!p1 $0x0  }
0x32: {  	[sflag:s9] =	ssyncadd.s32 @!p1 $0xFFFFFF80  }
0x33: {  	[tilespmem:s14], [sflag:$0x2] =	stream.linear.gather @!p0 [hbm4b:s4+s13], $0x80, $0x38;
	[tilespmem:$0x200] =	vst v63  }
0x34: {  	_ =	swait.ge @!p0 [sflag:s10], $0x80  }
0x35: {  	[sflag:s10] =	ssyncset.done @!p0 $0x0  }
0x36: {  	[sflag:s10] =	ssyncadd.s32 @!p0 $0xFFFFFF80  }
0x37: {  	[tilespmem:s17], [sflag:$0x1] =	stream.indirect.gather @!p0 [hbm4b:s2+s16], $0x1, s14, s16, $0xb8;
	[tilespmem:$0x200] =	vst v63  }
0x38: {  	_ =	swait.ge @!p0 [sflag:s15], $0x10  }
.Ltmp2:
0x39: {  	[sflag:s15] =	ssyncset.done @!p0 $0x0;
	(pc) =	sbr.rel @p3 .LBB2_2-.Ltmp2, $4  }
0x3a: {  	[sflag:s15] =	ssyncadd.s32 @!p0 $0xFFFFFFF0  }
0x3b: {  	[hbm4b:s3+s13] =	stream.linear.scatter @!p0 [tilespmem:s17], [sflag:$0x2], $0x10, $0x38;
	[tilespmem:$0x200] =	vst v63  }
0x3c: {  	_ =	swait.ge @!p0 [sflag:s10], $0x10  }
0x3d: {  	[sflag:s10] =	ssyncset.done @!p0 $0x0  }
.LBB2_3:
0x3e: {  	p2 =	por p0, !p2  }
0x3f: {  	s8 =	simm.s32 @!p1 $0x0;
	s9 =	simm.s32 @!p1 $0x2;
	[sflag:s10] =	ssyncadd.s32 @!p2 $0xFFFFFFF0  }
0x40: {  	[tilespmem:s8], [sflag:$0x2] =	stream.linear.gather @!p1 [hbm4b:s7+s8], $0x80, $0x38;
	[tilespmem:$0x200] =	vst v63  }
0x41: {  	_ =	swait.ge @!p1 [sflag:s9], $0x80  }
0x42: {  	[sflag:s9] =	ssyncset.done @!p1 $0x0  }
0x43: {  	s10 =	simm.s32 @!p1 $0x1;
	s7 =	simm.s32 @!p1 $0x80;
	[sflag:s9] =	ssyncadd.s32 @!p1 $0xFFFFFF80  }
0x44: {  	[tilespmem:s7], [sflag:$0x1] =	stream.indirect.gather @!p1 [hbm4b:s5+s7], $0x1, s8, s7, $0xb8;
	[tilespmem:$0x200] =	vst v63  }
0x45: {  	_ =	swait.ge @!p1 [sflag:s10], $0x80  }
0x46: {  	[sflag:s10] =	ssyncset.done @!p1 $0x0  }
0x47: {  	[sflag:s10] =	ssyncadd.s32 @!p1 $0xFFFFFF80  }
0x48: {  	[hbm4b:s6+s8] =	stream.linear.scatter @!p1 [tilespmem:s7], [sflag:$0x2], $0x80, $0x38;
	[tilespmem:$0x200] =	vst v63  }
0x49: {  	_ =	swait.ge @!p1 [sflag:s9], $0x80  }
0x4a: {  	s5 =	simm.s32 @!p0 $0x2;
	[sflag:s9] =	ssyncset.done @!p1 $0x0  }
0x4b: {  	s6 =	simm.s32 @!p0 $0x0;
	s7 =	simm.s32 @!p0 $0x100;
	[sflag:s9] =	ssyncadd.s32 @!p1 $0xFFFFFF80  }
0x4c: {  	[tilespmem:s7], [sflag:$0x2] =	stream.linear.gather @!p0 [hbm4b:s4+s6], $0x80, $0x38;
	[tilespmem:$0x200] =	vst v63  }
0x4d: {  	_ =	swait.ge @!p0 [sflag:s5], $0x80  }
0x4e: {  	s8 =	simm.s32 @!p0 $0x10;
	[sflag:s5] =	ssyncset.done @!p0 $0x0  }
0x4f: {  	s9 =	simm.s32 @!p0 $0x180;
	s4 =	simm.s32 @!p0 $0x1;
	[sflag:s5] =	ssyncadd.s32 @!p0 $0xFFFFFF80  }
0x50: {  	[tilespmem:s9], [sflag:$0x1] =	stream.indirect.gather @!p0 [hbm4b:s2+s8], $0x1, s7, s8, $0xb8;
	[tilespmem:$0x200] =	vst v63  }
0x51: {  	_ =	swait.ge @!p0 [sflag:s4], $0x10  }
0x52: {  	[sflag:s4] =	ssyncset.done @!p0 $0x0  }
0x53: {  	[sflag:s4] =	ssyncadd.s32 @!p0 $0xFFFFFFF0  }
0x54: {  	[hbm4b:s3+s6] =	stream.linear.scatter @!p0 [tilespmem:s9], [sflag:$0x2], $0x10, $0x38;
	[tilespmem:$0x200] =	vst v63  }
0x55: {  	_ =	swait.ge @!p0 [sflag:s5], $0x10  }
0x56: {  	[sflag:s5] =	ssyncset.done @!p0 $0x0  }
0x57: {  	[sflag:s5] =	ssyncadd.s32 @!p0 $0xFFFFFFF0  }
0x58: {  	_ =	sfence.sel $0x180000  }
0x59: {  	[bflag:$0x0] =	sbarrier.arrive $0xFFFF  }
0x5a: {  	p0 =	sne.s32 s1, $0x0;
	_ =	strace $0x90000047  }
0x5b: {  	s0 =	sadd.s32 @!p0 $0x100000, s0;
	[bflag:$0x2] =	sbarrier.arrive $0xFFFF  }
0x5c: {  	[sflag:s0] =	ssyncadd.tile.s32 @!p0 $0x1;
	_ =	shalt  }
.Lfunc_end2:
_tile_overlayer_lowered:
.L_overlay_start_2:
0x5d: {  	(tag) =	ssettag $0x2  }
0x5e: {  	s0 =	rddreg [dreg:$0x0];
	s2 =	stileid.u32  }
0x5f: {  	s1 =	rddreg [dreg:$0x1];
	p0 =	sne.s32 s2, $0x0  }
0x60: {  	s3 =	rddreg [dreg:$0x2];
	[bflag:$0x3] =	sbarrier.arrive $0xFFFF;
	s2 =	simm.s32 @!p0 $0x1C02  }
0x61: {  	[timem:s3], [sflag:s2] =	dma.local @!p0 [hbm:s0], s1  }
0x62: {  	s0 =	simm.s32 @!p0 $0x2  }
0x63: {  	_ =	swait.ge @!p0 [sflag:s0], s1  }
0x64: {  	s1 =	ssub.s32 @!p0 $0x0, s1;
	[sflag:s0] =	ssyncset.done @!p0 $0x0  }
0x65: {  	[sflag:s0] =	ssyncadd.s32 @!p0 s1  }
0x66: {  	[bflag:$0x3] =	sbarrier.arrive $0xFFFF  }
0x67: {  	_ =	shalt  }

</sc_bundles>
